<compile_context>
chip_gen: v7x
topology: tpu7x:2x2x1
jax: 0.10.2.dev20260603
libtpu: 0.0.44.dev20260713+nightly
codegen_flags: <defaults>
</compile_context>

<pallas_src>
import functools

import jax
import jax.numpy as jnp
from jax import lax
from jax.experimental import pallas as pl
from jax.experimental.pallas import tpu as pltpu
from jax.experimental.pallas import tpu_sc as plsc

N_NODES = 100000
D = 128
M = 600000

NC = 2
NS = 16
NW = NC * NS

CHUNK = 128
NBUF = 3
CHUNKS_PER_W = 147
GROUPS = CHUNKS_PER_W // NBUF
M_PAD = NW * CHUNKS_PER_W * CHUNK


def _gather_body(x_hbm, idx_hbm, out_hbm, idx_v, b0, b1, b2,
                 g0, g1, g2, w0, w1, w2):
    bufs = (b0, b1, b2)
    gsems = (g0, g1, g2)
    wsems = (w0, w1, w2)

    wid = lax.axis_index("s") * NC + lax.axis_index("c")
    base = wid * CHUNKS_PER_W

    pltpu.sync_copy(idx_hbm.at[wid], idx_v)

    def start_gather(j, b):
        pltpu.async_copy(x_hbm.at[idx_v.at[j]], bufs[b], gsems[b])

    def wait_gather(j, b):
        pltpu.make_async_copy(x_hbm.at[idx_v.at[j]], bufs[b], gsems[b]).wait()

    def start_write(j, b):
        pltpu.async_copy(bufs[b], out_hbm.at[pl.ds((base + j) * CHUNK, CHUNK)],
                         wsems[b])

    def wait_write(j, b):
        pltpu.make_async_copy(
            bufs[b], out_hbm.at[pl.ds((base + j) * CHUNK, CHUNK)],
            wsems[b]).wait()

    for b in range(NBUF):
        start_gather(b, b)

    def group(g, carry):
        for b in range(NBUF):
            j = g * NBUF + b
            wait_gather(j, b)
            start_write(j, b)
            wait_write(j, b)
            start_gather(j + NBUF, b)
        return carry

    lax.fori_loop(0, GROUPS - 1, group, 0)

    for b in range(NBUF):
        j = (GROUPS - 1) * NBUF + b
        wait_gather(j, b)
        start_write(j, b)
    for b in range(NBUF):
        j = (GROUPS - 1) * NBUF + b
        wait_write(j, b)


_gather_call = functools.partial(
    pl.kernel,
    out_type=jax.ShapeDtypeStruct((M_PAD, D), jnp.float32),
    mesh=plsc.VectorSubcoreMesh(core_axis_name="c", subcore_axis_name="s"),
    scratch_types=[
        pltpu.VMEM((CHUNKS_PER_W, CHUNK), jnp.int32),
        pltpu.VMEM((CHUNK, D), jnp.float32),
        pltpu.VMEM((CHUNK, D), jnp.float32),
        pltpu.VMEM((CHUNK, D), jnp.float32),
        pltpu.SemaphoreType.DMA,
        pltpu.SemaphoreType.DMA,
        pltpu.SemaphoreType.DMA,
        pltpu.SemaphoreType.DMA,
        pltpu.SemaphoreType.DMA,
        pltpu.SemaphoreType.DMA,
    ],
)(_gather_body)


def kernel(x, seed_inverse_ids):
    idx = seed_inverse_ids.astype(jnp.int32)
    idx = jnp.pad(idx, (0, M_PAD - M)).reshape(NW, CHUNKS_PER_W, CHUNK)
    out = _gather_call(x, idx)
    return out[:M]

# --- scband reference (transcript-rebuilt; emitter-appended) ---
"""Pipeline reference for scband-cooperative-conv-57372173140593 (READ-ONLY COPY).

The authoritative reference and input builder live on the scoring server;
editing this copy changes nothing except your own understanding.
"""

import jax, jax.numpy as jnp
import numpy as np

# CooperativeConv forward, simulated on a single device (world_size=1).
# With one rank, all_to_all(out_splits, in_splits) is an identity copy and
# counts_sent == counts_received, so the forward reduces to a pure gather:
#   out = x[seed_inverse_ids]
# This is exactly the computation each rank performs before/after the
# collective; the collective itself only permutes rows between ranks.

def setup_inputs(seed: int = 0) -> dict:
    key = jax.random.key(seed)
    k1, k2 = jax.random.split(key)
    n_nodes = 100000
    d_feat = 128
    m = 600000
    x = jax.random.normal(k1, (n_nodes, d_feat), dtype=jnp.float32)
    seed_inverse_ids = jax.random.randint(k2, (m,), 0, n_nodes, dtype=jnp.int64)
    return {"x": x, "seed_inverse_ids": seed_inverse_ids}


def reference(x, seed_inverse_ids):
    # gather rows of the seed-node feature tensor according to the inverse ids
    # (duplicated seeds requested by peer ranks); single-rank all_to_all is a copy.
    out = jnp.take(x, seed_inverse_ids, axis=0)
    return out

if __name__ == "__main__":
    import jax
    _d = setup_inputs()
    print(jax.jit(kernel)(*tuple(_d.values())))

</pallas_src>

<mosaic_0001>
#map = affine_map<(d0, d1) -> (0, 0)>
#map1 = affine_map<(d0, d1) -> (0, 0, 0)>
module attributes {stable_mosaic.version = 14 : i64} {
  func.func @_gather_body(%arg0: i32, %arg1: i32, %arg2: memref<100000x128xf32, #tpu.memory_space<hbm>>, %arg3: memref<32x147x128xi32, #tpu.memory_space<hbm>>, %arg4: memref<602112x128xf32, #tpu.memory_space<hbm>>, %arg5: memref<147x128xi32, #tpu.memory_space<vmem>>, %arg6: memref<128x128xf32, #tpu.memory_space<vmem>>, %arg7: memref<128x128xf32, #tpu.memory_space<vmem>>, %arg8: memref<128x128xf32, #tpu.memory_space<vmem>>, %arg9: memref<!tpu.dma_semaphore, #tpu.memory_space<semaphore_mem>>, %arg10: memref<!tpu.dma_semaphore, #tpu.memory_space<semaphore_mem>>, %arg11: memref<!tpu.dma_semaphore, #tpu.memory_space<semaphore_mem>>, %arg12: memref<!tpu.dma_semaphore, #tpu.memory_space<semaphore_mem>>, %arg13: memref<!tpu.dma_semaphore, #tpu.memory_space<semaphore_mem>>, %arg14: memref<!tpu.dma_semaphore, #tpu.memory_space<semaphore_mem>>) attributes {dimension_semantics = [#tpu.dimension_semantics<core_parallel>, #tpu.dimension_semantics<subcore_parallel>], iteration_bounds = array<i64: 2, 16>, scalar_prefetch = 0 : i64, scratch_operands = 10 : i64, tpu.core_type = #tpu.core_type<sc_vector_subcore>, window_params = [{transform_indices = #map}, {transform_indices = #map1}, {transform_indices = #map}]} {
    %mul3A = arith.constant 2 : i32
    %mul3A_0 = arith.muli %arg1, %mul3A : i32
    %add3A = arith.addi %mul3A_0, %arg0 : i32
    %mul3A_1 = arith.constant 147 : i32
    %mul3A_2 = arith.muli %add3A, %mul3A_1 : i32
    "tpu.region"() ({
      %run_scoped3A = tpu.sem_alloc : memref<!tpu.dma_semaphore, #tpu.memory_space<semaphore_mem>>
      %dma_start3A_96 = arith.constant 0 : i32
      %dma_start3A_97 = arith.constant 0 : i32
      %dma_start3A_98 = tpu.memref_slice %arg3[%add3A, %dma_start3A_96, %dma_start3A_97] : memref<32x147x128xi32, #tpu.memory_space<hbm>> -> memref<1x147x128xi32, #tpu.memory_space<hbm>>
      %dma_start3A_99 = tpu.memref_squeeze %dma_start3A_98 : memref<1x147x128xi32, #tpu.memory_space<hbm>> -> memref<147x128xi32, #tpu.memory_space<hbm>>
      %dma_start3A_100 = arith.constant 0 : i32
      %dma_start3A_101 = arith.constant 0 : i32
      %dma_start3A_102 = tpu.memref_slice %arg3[%add3A, %dma_start3A_100, %dma_start3A_101] : memref<32x147x128xi32, #tpu.memory_space<hbm>> -> memref<1x147x128xi32, #tpu.memory_space<hbm>>
      %dma_start3A_103 = tpu.memref_squeeze %dma_start3A_102 : memref<1x147x128xi32, #tpu.memory_space<hbm>> -> memref<147x128xi32, #tpu.memory_space<hbm>>
      tpu.enqueue_dma source(%dma_start3A_103 : memref<147x128xi32, #tpu.memory_space<hbm>>) target(%arg5 : memref<147x128xi32, #tpu.memory_space<vmem>>) target_semaphore(%run_scoped3A : memref<!tpu.dma_semaphore, #tpu.memory_space<semaphore_mem>>)
      %dma_wait3A_104 = arith.constant 0 : i32
      %dma_wait3A_105 = arith.constant 0 : i32
      %dma_wait3A_106 = tpu.memref_slice %arg3[%add3A, %dma_wait3A_104, %dma_wait3A_105] : memref<32x147x128xi32, #tpu.memory_space<hbm>> -> memref<1x147x128xi32, #tpu.memory_space<hbm>>
      %dma_wait3A_107 = tpu.memref_squeeze %dma_wait3A_106 : memref<1x147x128xi32, #tpu.memory_space<hbm>> -> memref<147x128xi32, #tpu.memory_space<hbm>>
      %dma_wait3A_108 = arith.constant 0 : i32
      %dma_wait3A_109 = arith.constant 0 : i32
      %dma_wait3A_110 = tpu.memref_slice %arg3[%add3A, %dma_wait3A_108, %dma_wait3A_109] : memref<32x147x128xi32, #tpu.memory_space<hbm>> -> memref<1x147x128xi32, #tpu.memory_space<hbm>>
      %dma_wait3A_111 = tpu.memref_squeeze %dma_wait3A_110 : memref<1x147x128xi32, #tpu.memory_space<hbm>> -> memref<147x128xi32, #tpu.memory_space<hbm>>
      tpu.wait_dma2 semaphore(%run_scoped3A : memref<!tpu.dma_semaphore, #tpu.memory_space<semaphore_mem>>) src(%dma_wait3A_111 : memref<147x128xi32, #tpu.memory_space<hbm>>) dst(%arg5 : memref<147x128xi32, #tpu.memory_space<vmem>>)
      tpu.yield
    }) : () -> ()
    %dma_start3A = arith.constant 0 : i32
    %dma_start3A_3 = arith.constant 0 : i32
    %dma_start3A_4 = tpu.memref_slice %arg5[%dma_start3A, %dma_start3A_3] : memref<147x128xi32, #tpu.memory_space<vmem>> -> memref<1x128xi32, #tpu.memory_space<vmem>>
    %dma_start3A_5 = tpu.memref_squeeze %dma_start3A_4 : memref<1x128xi32, #tpu.memory_space<vmem>> -> memref<128xi32, #tpu.memory_space<vmem>>
    %dma_start3A_6 = arith.constant 0 : i32
    %dma_start3A_7 = arith.constant 0 : i32
    %dma_start3A_8 = tpu.memref_slice %arg2[%dma_start3A_6, %dma_start3A_7] : memref<100000x128xf32, #tpu.memory_space<hbm>> -> memref<100000x128xf32, #tpu.memory_space<hbm>>
    tpu.enqueue_indirect_dma source(%dma_start3A_8 : memref<100000x128xf32, #tpu.memory_space<hbm>>) target(%arg6 : memref<128x128xf32, #tpu.memory_space<vmem>>) offsets(%dma_start3A_5 : memref<128xi32, #tpu.memory_space<vmem>>) semaphore(%arg9 : memref<!tpu.dma_semaphore, #tpu.memory_space<semaphore_mem>>)
    %dma_start3A_9 = arith.constant 1 : i32
    %dma_start3A_10 = arith.constant 0 : i32
    %dma_start3A_11 = tpu.memref_slice %arg5[%dma_start3A_9, %dma_start3A_10] : memref<147x128xi32, #tpu.memory_space<vmem>> -> memref<1x128xi32, #tpu.memory_space<vmem>>
    %dma_start3A_12 = tpu.memref_squeeze %dma_start3A_11 : memref<1x128xi32, #tpu.memory_space<vmem>> -> memref<128xi32, #tpu.memory_space<vmem>>
    %dma_start3A_13 = arith.constant 0 : i32
    %dma_start3A_14 = arith.constant 0 : i32
    %dma_start3A_15 = tpu.memref_slice %arg2[%dma_start3A_13, %dma_start3A_14] : memref<100000x128xf32, #tpu.memory_space<hbm>> -> memref<100000x128xf32, #tpu.memory_space<hbm>>
    tpu.enqueue_indirect_dma source(%dma_start3A_15 : memref<100000x128xf32, #tpu.memory_space<hbm>>) target(%arg7 : memref<128x128xf32, #tpu.memory_space<vmem>>) offsets(%dma_start3A_12 : memref<128xi32, #tpu.memory_space<vmem>>) semaphore(%arg10 : memref<!tpu.dma_semaphore, #tpu.memory_space<semaphore_mem>>)
    %dma_start3A_16 = arith.constant 2 : i32
    %dma_start3A_17 = arith.constant 0 : i32
    %dma_start3A_18 = tpu.memref_slice %arg5[%dma_start3A_16, %dma_start3A_17] : memref<147x128xi32, #tpu.memory_space<vmem>> -> memref<1x128xi32, #tpu.memory_space<vmem>>
    %dma_start3A_19 = tpu.memref_squeeze %dma_start3A_18 : memref<1x128xi32, #tpu.memory_space<vmem>> -> memref<128xi32, #tpu.memory_space<vmem>>
    %dma_start3A_20 = arith.constant 0 : i32
    %dma_start3A_21 = arith.constant 0 : i32
    %dma_start3A_22 = tpu.memref_slice %arg2[%dma_start3A_20, %dma_start3A_21] : memref<100000x128xf32, #tpu.memory_space<hbm>> -> memref<100000x128xf32, #tpu.memory_space<hbm>>
    tpu.enqueue_indirect_dma source(%dma_start3A_22 : memref<100000x128xf32, #tpu.memory_space<hbm>>) target(%arg8 : memref<128x128xf32, #tpu.memory_space<vmem>>) offsets(%dma_start3A_19 : memref<128xi32, #tpu.memory_space<vmem>>) semaphore(%arg11 : memref<!tpu.dma_semaphore, #tpu.memory_space<semaphore_mem>>)
    %scan3A = arith.constant 0 : i32
    %scan3A_23 = arith.constant 0 : i32
    %scan3A_24 = arith.constant 48 : i32
    %scan3A_25 = arith.addi %scan3A_23, %scan3A_24 : i32
    %scan3A_26 = arith.constant 1 : i32
    scf.for %scan3A_96 = %scan3A_23 to %scan3A_25 step %scan3A_26  : i32 {
      %mul3A_97 = arith.constant 3 : i32
      %mul3A_98 = arith.muli %scan3A_96, %mul3A_97 : i32
      %add3A_99 = arith.constant 0 : i32
      %add3A_100 = arith.addi %mul3A_98, %add3A_99 : i32
      %dma_wait3A_101 = arith.constant 0 : i32
      %dma_wait3A_102 = tpu.memref_slice %arg5[%add3A_100, %dma_wait3A_101] : memref<147x128xi32, #tpu.memory_space<vmem>> -> memref<1x128xi32, #tpu.memory_space<vmem>>
      %dma_wait3A_103 = tpu.memref_squeeze %dma_wait3A_102 : memref<1x128xi32, #tpu.memory_space<vmem>> -> memref<128xi32, #tpu.memory_space<vmem>>
      %dma_wait3A_104 = arith.constant 0 : i32
      %dma_wait3A_105 = arith.constant 0 : i32
      %dma_wait3A_106 = tpu.memref_slice %arg2[%dma_wait3A_104, %dma_wait3A_105] : memref<100000x128xf32, #tpu.memory_space<hbm>> -> memref<100000x128xf32, #tpu.memory_space<hbm>>
      tpu.wait_indirect_dma semaphore(%arg9 : memref<!tpu.dma_semaphore, #tpu.memory_space<semaphore_mem>>) src(%dma_wait3A_106 : memref<100000x128xf32, #tpu.memory_space<hbm>>) dst(%arg6 : memref<128x128xf32, #tpu.memory_space<vmem>>)
      %add3A_107 = arith.addi %mul3A_2, %add3A_100 : i32
      %mul3A_108 = arith.constant 128 : i32
      %mul3A_109 = arith.muli %add3A_107, %mul3A_108 : i32
      %dma_start3A_110 = arith.constant 0 : i32
      %dma_start3A_111 = tpu.memref_slice %arg4[%mul3A_109, %dma_start3A_110] : memref<602112x128xf32, #tpu.memory_space<hbm>> -> memref<128x128xf32, #tpu.memory_space<hbm>>
      %dma_start3A_112 = arith.constant 0 : i32
      %dma_start3A_113 = tpu.memref_slice %arg4[%mul3A_109, %dma_start3A_112] : memref<602112x128xf32, #tpu.memory_space<hbm>> -> memref<128x128xf32, #tpu.memory_space<hbm>>
      tpu.enqueue_dma source(%arg6 : memref<128x128xf32, #tpu.memory_space<vmem>>) target(%dma_start3A_113 : memref<128x128xf32, #tpu.memory_space<hbm>>) target_semaphore(%arg12 : memref<!tpu.dma_semaphore, #tpu.memory_space<semaphore_mem>>)
      %add3A_114 = arith.addi %mul3A_2, %add3A_100 : i32
      %mul3A_115 = arith.constant 128 : i32
      %mul3A_116 = arith.muli %add3A_114, %mul3A_115 : i32
      %dma_wait3A_117 = arith.constant 0 : i32
      %dma_wait3A_118 = tpu.memref_slice %arg4[%mul3A_116, %dma_wait3A_117] : memref<602112x128xf32, #tpu.memory_space<hbm>> -> memref<128x128xf32, #tpu.memory_space<hbm>>
      %dma_wait3A_119 = arith.constant 0 : i32
      %dma_wait3A_120 = tpu.memref_slice %arg4[%mul3A_116, %dma_wait3A_119] : memref<602112x128xf32, #tpu.memory_space<hbm>> -> memref<128x128xf32, #tpu.memory_space<hbm>>
      tpu.wait_dma2 semaphore(%arg12 : memref<!tpu.dma_semaphore, #tpu.memory_space<semaphore_mem>>) src(%arg6 : memref<128x128xf32, #tpu.memory_space<vmem>>) dst(%dma_wait3A_120 : memref<128x128xf32, #tpu.memory_space<hbm>>)
      %add3A_121 = arith.constant 3 : i32
      %add3A_122 = arith.addi %add3A_100, %add3A_121 : i32
      %dma_start3A_123 = arith.constant 0 : i32
      %dma_start3A_124 = tpu.memref_slice %arg5[%add3A_122, %dma_start3A_123] : memref<147x128xi32, #tpu.memory_space<vmem>> -> memref<1x128xi32, #tpu.memory_space<vmem>>
      %dma_start3A_125 = tpu.memref_squeeze %dma_start3A_124 : memref<1x128xi32, #tpu.memory_space<vmem>> -> memref<128xi32, #tpu.memory_space<vmem>>
      %dma_start3A_126 = arith.constant 0 : i32
      %dma_start3A_127 = arith.constant 0 : i32
      %dma_start3A_128 = tpu.memref_slice %arg2[%dma_start3A_126, %dma_start3A_127] : memref<100000x128xf32, #tpu.memory_space<hbm>> -> memref<100000x128xf32, #tpu.memory_space<hbm>>
      tpu.enqueue_indirect_dma source(%dma_start3A_128 : memref<100000x128xf32, #tpu.memory_space<hbm>>) target(%arg6 : memref<128x128xf32, #tpu.memory_space<vmem>>) offsets(%dma_start3A_125 : memref<128xi32, #tpu.memory_space<vmem>>) semaphore(%arg9 : memref<!tpu.dma_semaphore, #tpu.memory_space<semaphore_mem>>)
      %mul3A_129 = arith.constant 3 : i32
      %mul3A_130 = arith.muli %scan3A_96, %mul3A_129 : i32
      %add3A_131 = arith.constant 1 : i32
      %add3A_132 = arith.addi %mul3A_130, %add3A_131 : i32
      %dma_wait3A_133 = arith.constant 0 : i32
      %dma_wait3A_134 = tpu.memref_slice %arg5[%add3A_132, %dma_wait3A_133] : memref<147x128xi32, #tpu.memory_space<vmem>> -> memref<1x128xi32, #tpu.memory_space<vmem>>
      %dma_wait3A_135 = tpu.memref_squeeze %dma_wait3A_134 : memref<1x128xi32, #tpu.memory_space<vmem>> -> memref<128xi32, #tpu.memory_space<vmem>>
      %dma_wait3A_136 = arith.constant 0 : i32
      %dma_wait3A_137 = arith.constant 0 : i32
      %dma_wait3A_138 = tpu.memref_slice %arg2[%dma_wait3A_136, %dma_wait3A_137] : memref<100000x128xf32, #tpu.memory_space<hbm>> -> memref<100000x128xf32, #tpu.memory_space<hbm>>
      tpu.wait_indirect_dma semaphore(%arg10 : memref<!tpu.dma_semaphore, #tpu.memory_space<semaphore_mem>>) src(%dma_wait3A_138 : memref<100000x128xf32, #tpu.memory_space<hbm>>) dst(%arg7 : memref<128x128xf32, #tpu.memory_space<vmem>>)
      %add3A_139 = arith.addi %mul3A_2, %add3A_132 : i32
      %mul3A_140 = arith.constant 128 : i32
      %mul3A_141 = arith.muli %add3A_139, %mul3A_140 : i32
      %dma_start3A_142 = arith.constant 0 : i32
      %dma_start3A_143 = tpu.memref_slice %arg4[%mul3A_141, %dma_start3A_142] : memref<602112x128xf32, #tpu.memory_space<hbm>> -> memref<128x128xf32, #tpu.memory_space<hbm>>
      %dma_start3A_144 = arith.constant 0 : i32
      %dma_start3A_145 = tpu.memref_slice %arg4[%mul3A_141, %dma_start3A_144] : memref<602112x128xf32, #tpu.memory_space<hbm>> -> memref<128x128xf32, #tpu.memory_space<hbm>>
      tpu.enqueue_dma source(%arg7 : memref<128x128xf32, #tpu.memory_space<vmem>>) target(%dma_start3A_145 : memref<128x128xf32, #tpu.memory_space<hbm>>) target_semaphore(%arg13 : memref<!tpu.dma_semaphore, #tpu.memory_space<semaphore_mem>>)
      %add3A_146 = arith.addi %mul3A_2, %add3A_132 : i32
      %mul3A_147 = arith.constant 128 : i32
      %mul3A_148 = arith.muli %add3A_146, %mul3A_147 : i32
      %dma_wait3A_149 = arith.constant 0 : i32
      %dma_wait3A_150 = tpu.memref_slice %arg4[%mul3A_148, %dma_wait3A_149] : memref<602112x128xf32, #tpu.memory_space<hbm>> -> memref<128x128xf32, #tpu.memory_space<hbm>>
      %dma_wait3A_151 = arith.constant 0 : i32
      %dma_wait3A_152 = tpu.memref_slice %arg4[%mul3A_148, %dma_wait3A_151] : memref<602112x128xf32, #tpu.memory_space<hbm>> -> memref<128x128xf32, #tpu.memory_space<hbm>>
      tpu.wait_dma2 semaphore(%arg13 : memref<!tpu.dma_semaphore, #tpu.memory_space<semaphore_mem>>) src(%arg7 : memref<128x128xf32, #tpu.memory_space<vmem>>) dst(%dma_wait3A_152 : memref<128x128xf32, #tpu.memory_space<hbm>>)
      %add3A_153 = arith.constant 3 : i32
      %add3A_154 = arith.addi %add3A_132, %add3A_153 : i32
      %dma_start3A_155 = arith.constant 0 : i32
      %dma_start3A_156 = tpu.memref_slice %arg5[%add3A_154, %dma_start3A_155] : memref<147x128xi32, #tpu.memory_space<vmem>> -> memref<1x128xi32, #tpu.memory_space<vmem>>
      %dma_start3A_157 = tpu.memref_squeeze %dma_start3A_156 : memref<1x128xi32, #tpu.memory_space<vmem>> -> memref<128xi32, #tpu.memory_space<vmem>>
      %dma_start3A_158 = arith.constant 0 : i32
      %dma_start3A_159 = arith.constant 0 : i32
      %dma_start3A_160 = tpu.memref_slice %arg2[%dma_start3A_158, %dma_start3A_159] : memref<100000x128xf32, #tpu.memory_space<hbm>> -> memref<100000x128xf32, #tpu.memory_space<hbm>>
      tpu.enqueue_indirect_dma source(%dma_start3A_160 : memref<100000x128xf32, #tpu.memory_space<hbm>>) target(%arg7 : memref<128x128xf32, #tpu.memory_space<vmem>>) offsets(%dma_start3A_157 : memref<128xi32, #tpu.memory_space<vmem>>) semaphore(%arg10 : memref<!tpu.dma_semaphore, #tpu.memory_space<semaphore_mem>>)
      %mul3A_161 = arith.constant 3 : i32
      %mul3A_162 = arith.muli %scan3A_96, %mul3A_161 : i32
      %add3A_163 = arith.constant 2 : i32
      %add3A_164 = arith.addi %mul3A_162, %add3A_163 : i32
      %dma_wait3A_165 = arith.constant 0 : i32
      %dma_wait3A_166 = tpu.memref_slice %arg5[%add3A_164, %dma_wait3A_165] : memref<147x128xi32, #tpu.memory_space<vmem>> -> memref<1x128xi32, #tpu.memory_space<vmem>>
      %dma_wait3A_167 = tpu.memref_squeeze %dma_wait3A_166 : memref<1x128xi32, #tpu.memory_space<vmem>> -> memref<128xi32, #tpu.memory_space<vmem>>
      %dma_wait3A_168 = arith.constant 0 : i32
      %dma_wait3A_169 = arith.constant 0 : i32
      %dma_wait3A_170 = tpu.memref_slice %arg2[%dma_wait3A_168, %dma_wait3A_169] : memref<100000x128xf32, #tpu.memory_space<hbm>> -> memref<100000x128xf32, #tpu.memory_space<hbm>>
      tpu.wait_indirect_dma semaphore(%arg11 : memref<!tpu.dma_semaphore, #tpu.memory_space<semaphore_mem>>) src(%dma_wait3A_170 : memref<100000x128xf32, #tpu.memory_space<hbm>>) dst(%arg8 : memref<128x128xf32, #tpu.memory_space<vmem>>)
      %add3A_171 = arith.addi %mul3A_2, %add3A_164 : i32
      %mul3A_172 = arith.constant 128 : i32
      %mul3A_173 = arith.muli %add3A_171, %mul3A_172 : i32
      %dma_start3A_174 = arith.constant 0 : i32
      %dma_start3A_175 = tpu.memref_slice %arg4[%mul3A_173, %dma_start3A_174] : memref<602112x128xf32, #tpu.memory_space<hbm>> -> memref<128x128xf32, #tpu.memory_space<hbm>>
      %dma_start3A_176 = arith.constant 0 : i32
      %dma_start3A_177 = tpu.memref_slice %arg4[%mul3A_173, %dma_start3A_176] : memref<602112x128xf32, #tpu.memory_space<hbm>> -> memref<128x128xf32, #tpu.memory_space<hbm>>
      tpu.enqueue_dma source(%arg8 : memref<128x128xf32, #tpu.memory_space<vmem>>) target(%dma_start3A_177 : memref<128x128xf32, #tpu.memory_space<hbm>>) target_semaphore(%arg14 : memref<!tpu.dma_semaphore, #tpu.memory_space<semaphore_mem>>)
      %add3A_178 = arith.addi %mul3A_2, %add3A_164 : i32
      %mul3A_179 = arith.constant 128 : i32
      %mul3A_180 = arith.muli %add3A_178, %mul3A_179 : i32
      %dma_wait3A_181 = arith.constant 0 : i32
      %dma_wait3A_182 = tpu.memref_slice %arg4[%mul3A_180, %dma_wait3A_181] : memref<602112x128xf32, #tpu.memory_space<hbm>> -> memref<128x128xf32, #tpu.memory_space<hbm>>
      %dma_wait3A_183 = arith.constant 0 : i32
      %dma_wait3A_184 = tpu.memref_slice %arg4[%mul3A_180, %dma_wait3A_183] : memref<602112x128xf32, #tpu.memory_space<hbm>> -> memref<128x128xf32, #tpu.memory_space<hbm>>
      tpu.wait_dma2 semaphore(%arg14 : memref<!tpu.dma_semaphore, #tpu.memory_space<semaphore_mem>>) src(%arg8 : memref<128x128xf32, #tpu.memory_space<vmem>>) dst(%dma_wait3A_184 : memref<128x128xf32, #tpu.memory_space<hbm>>)
      %add3A_185 = arith.constant 3 : i32
      %add3A_186 = arith.addi %add3A_164, %add3A_185 : i32
      %dma_start3A_187 = arith.constant 0 : i32
      %dma_start3A_188 = tpu.memref_slice %arg5[%add3A_186, %dma_start3A_187] : memref<147x128xi32, #tpu.memory_space<vmem>> -> memref<1x128xi32, #tpu.memory_space<vmem>>
      %dma_start3A_189 = tpu.memref_squeeze %dma_start3A_188 : memref<1x128xi32, #tpu.memory_space<vmem>> -> memref<128xi32, #tpu.memory_space<vmem>>
      %dma_start3A_190 = arith.constant 0 : i32
      %dma_start3A_191 = arith.constant 0 : i32
      %dma_start3A_192 = tpu.memref_slice %arg2[%dma_start3A_190, %dma_start3A_191] : memref<100000x128xf32, #tpu.memory_space<hbm>> -> memref<100000x128xf32, #tpu.memory_space<hbm>>
      tpu.enqueue_indirect_dma source(%dma_start3A_192 : memref<100000x128xf32, #tpu.memory_space<hbm>>) target(%arg8 : memref<128x128xf32, #tpu.memory_space<vmem>>) offsets(%dma_start3A_189 : memref<128xi32, #tpu.memory_space<vmem>>) semaphore(%arg11 : memref<!tpu.dma_semaphore, #tpu.memory_space<semaphore_mem>>)
    }
    %scan3A_27 = arith.constant 48 : i32
    %dma_wait3A = arith.constant 144 : i32
    %dma_wait3A_28 = arith.constant 0 : i32
    %dma_wait3A_29 = tpu.memref_slice %arg5[%dma_wait3A, %dma_wait3A_28] : memref<147x128xi32, #tpu.memory_space<vmem>> -> memref<1x128xi32, #tpu.memory_space<vmem>>
    %dma_wait3A_30 = tpu.memref_squeeze %dma_wait3A_29 : memref<1x128xi32, #tpu.memory_space<vmem>> -> memref<128xi32, #tpu.memory_space<vmem>>
    %dma_wait3A_31 = arith.constant 0 : i32
    %dma_wait3A_32 = arith.constant 0 : i32
    %dma_wait3A_33 = tpu.memref_slice %arg2[%dma_wait3A_31, %dma_wait3A_32] : memref<100000x128xf32, #tpu.memory_space<hbm>> -> memref<100000x128xf32, #tpu.memory_space<hbm>>
    tpu.wait_indirect_dma semaphore(%arg9 : memref<!tpu.dma_semaphore, #tpu.memory_space<semaphore_mem>>) src(%dma_wait3A_33 : memref<100000x128xf32, #tpu.memory_space<hbm>>) dst(%arg6 : memref<128x128xf32, #tpu.memory_space<vmem>>)
    %add3A_34 = arith.constant 144 : i32
    %add3A_35 = arith.addi %mul3A_2, %add3A_34 : i32
    %mul3A_36 = arith.constant 128 : i32
    %mul3A_37 = arith.muli %add3A_35, %mul3A_36 : i32
    %dma_start3A_38 = arith.constant 0 : i32
    %dma_start3A_39 = tpu.memref_slice %arg4[%mul3A_37, %dma_start3A_38] : memref<602112x128xf32, #tpu.memory_space<hbm>> -> memref<128x128xf32, #tpu.memory_space<hbm>>
    %dma_start3A_40 = arith.constant 0 : i32
    %dma_start3A_41 = tpu.memref_slice %arg4[%mul3A_37, %dma_start3A_40] : memref<602112x128xf32, #tpu.memory_space<hbm>> -> memref<128x128xf32, #tpu.memory_space<hbm>>
    tpu.enqueue_dma source(%arg6 : memref<128x128xf32, #tpu.memory_space<vmem>>) target(%dma_start3A_41 : memref<128x128xf32, #tpu.memory_space<hbm>>) target_semaphore(%arg12 : memref<!tpu.dma_semaphore, #tpu.memory_space<semaphore_mem>>)
    %dma_wait3A_42 = arith.constant 145 : i32
    %dma_wait3A_43 = arith.constant 0 : i32
    %dma_wait3A_44 = tpu.memref_slice %arg5[%dma_wait3A_42, %dma_wait3A_43] : memref<147x128xi32, #tpu.memory_space<vmem>> -> memref<1x128xi32, #tpu.memory_space<vmem>>
    %dma_wait3A_45 = tpu.memref_squeeze %dma_wait3A_44 : memref<1x128xi32, #tpu.memory_space<vmem>> -> memref<128xi32, #tpu.memory_space<vmem>>
    %dma_wait3A_46 = arith.constant 0 : i32
    %dma_wait3A_47 = arith.constant 0 : i32
    %dma_wait3A_48 = tpu.memref_slice %arg2[%dma_wait3A_46, %dma_wait3A_47] : memref<100000x128xf32, #tpu.memory_space<hbm>> -> memref<100000x128xf32, #tpu.memory_space<hbm>>
    tpu.wait_indirect_dma semaphore(%arg10 : memref<!tpu.dma_semaphore, #tpu.memory_space<semaphore_mem>>) src(%dma_wait3A_48 : memref<100000x128xf32, #tpu.memory_space<hbm>>) dst(%arg7 : memref<128x128xf32, #tpu.memory_space<vmem>>)
    %add3A_49 = arith.constant 145 : i32
    %add3A_50 = arith.addi %mul3A_2, %add3A_49 : i32
    %mul3A_51 = arith.constant 128 : i32
    %mul3A_52 = arith.muli %add3A_50, %mul3A_51 : i32
    %dma_start3A_53 = arith.constant 0 : i32
    %dma_start3A_54 = tpu.memref_slice %arg4[%mul3A_52, %dma_start3A_53] : memref<602112x128xf32, #tpu.memory_space<hbm>> -> memref<128x128xf32, #tpu.memory_space<hbm>>
    %dma_start3A_55 = arith.constant 0 : i32
    %dma_start3A_56 = tpu.memref_slice %arg4[%mul3A_52, %dma_start3A_55] : memref<602112x128xf32, #tpu.memory_space<hbm>> -> memref<128x128xf32, #tpu.memory_space<hbm>>
    tpu.enqueue_dma source(%arg7 : memref<128x128xf32, #tpu.memory_space<vmem>>) target(%dma_start3A_56 : memref<128x128xf32, #tpu.memory_space<hbm>>) target_semaphore(%arg13 : memref<!tpu.dma_semaphore, #tpu.memory_space<semaphore_mem>>)
    %dma_wait3A_57 = arith.constant 146 : i32
    %dma_wait3A_58 = arith.constant 0 : i32
    %dma_wait3A_59 = tpu.memref_slice %arg5[%dma_wait3A_57, %dma_wait3A_58] : memref<147x128xi32, #tpu.memory_space<vmem>> -> memref<1x128xi32, #tpu.memory_space<vmem>>
    %dma_wait3A_60 = tpu.memref_squeeze %dma_wait3A_59 : memref<1x128xi32, #tpu.memory_space<vmem>> -> memref<128xi32, #tpu.memory_space<vmem>>
    %dma_wait3A_61 = arith.constant 0 : i32
    %dma_wait3A_62 = arith.constant 0 : i32
    %dma_wait3A_63 = tpu.memref_slice %arg2[%dma_wait3A_61, %dma_wait3A_62] : memref<100000x128xf32, #tpu.memory_space<hbm>> -> memref<100000x128xf32, #tpu.memory_space<hbm>>
    tpu.wait_indirect_dma semaphore(%arg11 : memref<!tpu.dma_semaphore, #tpu.memory_space<semaphore_mem>>) src(%dma_wait3A_63 : memref<100000x128xf32, #tpu.memory_space<hbm>>) dst(%arg8 : memref<128x128xf32, #tpu.memory_space<vmem>>)
    %add3A_64 = arith.constant 146 : i32
    %add3A_65 = arith.addi %mul3A_2, %add3A_64 : i32
    %mul3A_66 = arith.constant 128 : i32
    %mul3A_67 = arith.muli %add3A_65, %mul3A_66 : i32
    %dma_start3A_68 = arith.constant 0 : i32
    %dma_start3A_69 = tpu.memref_slice %arg4[%mul3A_67, %dma_start3A_68] : memref<602112x128xf32, #tpu.memory_space<hbm>> -> memref<128x128xf32, #tpu.memory_space<hbm>>
    %dma_start3A_70 = arith.constant 0 : i32
    %dma_start3A_71 = tpu.memref_slice %arg4[%mul3A_67, %dma_start3A_70] : memref<602112x128xf32, #tpu.memory_space<hbm>> -> memref<128x128xf32, #tpu.memory_space<hbm>>
    tpu.enqueue_dma source(%arg8 : memref<128x128xf32, #tpu.memory_space<vmem>>) target(%dma_start3A_71 : memref<128x128xf32, #tpu.memory_space<hbm>>) target_semaphore(%arg14 : memref<!tpu.dma_semaphore, #tpu.memory_space<semaphore_mem>>)
    %add3A_72 = arith.constant 144 : i32
    %add3A_73 = arith.addi %mul3A_2, %add3A_72 : i32
    %mul3A_74 = arith.constant 128 : i32
    %mul3A_75 = arith.muli %add3A_73, %mul3A_74 : i32
    %dma_wait3A_76 = arith.constant 0 : i32
    %dma_wait3A_77 = tpu.memref_slice %arg4[%mul3A_75, %dma_wait3A_76] : memref<602112x128xf32, #tpu.memory_space<hbm>> -> memref<128x128xf32, #tpu.memory_space<hbm>>
    %dma_wait3A_78 = arith.constant 0 : i32
    %dma_wait3A_79 = tpu.memref_slice %arg4[%mul3A_75, %dma_wait3A_78] : memref<602112x128xf32, #tpu.memory_space<hbm>> -> memref<128x128xf32, #tpu.memory_space<hbm>>
    tpu.wait_dma2 semaphore(%arg12 : memref<!tpu.dma_semaphore, #tpu.memory_space<semaphore_mem>>) src(%arg6 : memref<128x128xf32, #tpu.memory_space<vmem>>) dst(%dma_wait3A_79 : memref<128x128xf32, #tpu.memory_space<hbm>>)
    %add3A_80 = arith.constant 145 : i32
    %add3A_81 = arith.addi %mul3A_2, %add3A_80 : i32
    %mul3A_82 = arith.constant 128 : i32
    %mul3A_83 = arith.muli %add3A_81, %mul3A_82 : i32
    %dma_wait3A_84 = arith.constant 0 : i32
    %dma_wait3A_85 = tpu.memref_slice %arg4[%mul3A_83, %dma_wait3A_84] : memref<602112x128xf32, #tpu.memory_space<hbm>> -> memref<128x128xf32, #tpu.memory_space<hbm>>
    %dma_wait3A_86 = arith.constant 0 : i32
    %dma_wait3A_87 = tpu.memref_slice %arg4[%mul3A_83, %dma_wait3A_86] : memref<602112x128xf32, #tpu.memory_space<hbm>> -> memref<128x128xf32, #tpu.memory_space<hbm>>
    tpu.wait_dma2 semaphore(%arg13 : memref<!tpu.dma_semaphore, #tpu.memory_space<semaphore_mem>>) src(%arg7 : memref<128x128xf32, #tpu.memory_space<vmem>>) dst(%dma_wait3A_87 : memref<128x128xf32, #tpu.memory_space<hbm>>)
    %add3A_88 = arith.constant 146 : i32
    %add3A_89 = arith.addi %mul3A_2, %add3A_88 : i32
    %mul3A_90 = arith.constant 128 : i32
    %mul3A_91 = arith.muli %add3A_89, %mul3A_90 : i32
    %dma_wait3A_92 = arith.constant 0 : i32
    %dma_wait3A_93 = tpu.memref_slice %arg4[%mul3A_91, %dma_wait3A_92] : memref<602112x128xf32, #tpu.memory_space<hbm>> -> memref<128x128xf32, #tpu.memory_space<hbm>>
    %dma_wait3A_94 = arith.constant 0 : i32
    %dma_wait3A_95 = tpu.memref_slice %arg4[%mul3A_91, %dma_wait3A_94] : memref<602112x128xf32, #tpu.memory_space<hbm>> -> memref<128x128xf32, #tpu.memory_space<hbm>>
    tpu.wait_dma2 semaphore(%arg14 : memref<!tpu.dma_semaphore, #tpu.memory_space<semaphore_mem>>) src(%arg8 : memref<128x128xf32, #tpu.memory_space<vmem>>) dst(%dma_wait3A_95 : memref<128x128xf32, #tpu.memory_space<hbm>>)
    return
  }
}

</mosaic_0001>

<sc_bundles>
// kernel: kernel.3.cloned.1.call-start
scs
__scs_entry_jumppad:
0x0: {  	(pc) =	sbr.rel $0x88, $3  }
0x1: {  	(tag) =	ssettag $0x0;
	lr =	simm.s32 $0x1  }
0x2: {  	[smem:$0x3F9F] =	sst lr;
	_ =	strace $0xD0000000  }
0x3: {  	_ = 	snop  }
0x4: {  	_ = 	snop  }
0x5: {  	_ = 	snop  }
0x6: {  	_ = 	snop  }
0x7: {  	_ = 	snop  }
__scs_overlays_trampoline_lowered:
0x8: {  	[smem:$0x3FAE] =	sst s0  }
0x9: {  	[smem:$0x3FAF] =	sst s1  }
0xa: {  	[smem:$0x3FB0] =	sst s2  }
0xb: {  	[smem:$0x3FB1] =	sst s3  }
0xc: {  	[smem:$0x3FB2] =	sst s4  }
0xd: {  	[smem:$0x3FB3] =	sst s5  }
0xe: {  	[smem:$0x3FB4] =	sst s6  }
0xf: {  	[smem:$0x3FB5] =	sst s7  }
0x10: {  	[smem:$0x3FB6] =	sst s8  }
0x11: {  	[smem:$0x3FB7] =	sst s9;
	s0 =	simm.s32 @!p0 $0x0  }
0x12: {  	s1 =	sld [smem:$0x3F9D];
	s0 =	simm.s32 @p0 $0x1  }
0x13: {  	[smem:$0x3FB8] =	sst s0;
	s0 =	simm.s32 @!p1 $0x0  }
0x14: {  	s2 =	sld [smem:$0x3F9C];
	s0 =	simm.s32 @p1 $0x1  }
0x15: {  	[smem:$0x3FB9] =	sst s0;
	s0 =	simm.s32 @!p2 $0x0  }
0x16: {  	s3 =	sld [smem:$0x3FDB];
	s0 =	simm.s32 @p2 $0x1  }
0x17: {  	s4 =	simm.s32 $0x1BF5;
	[smem:$0x3FBB] =	sst s0  }
0x18: {  	s0 =	sld [smem:$0x3F9E];
	_ =	swait.ge [sflag:s4], $0x0  }
0x19: {  	s7 =	sld [smem:$0x3F9F]  }
0x1a: {  	s8 =	sadd.s32 $0xFFFFE003, lr  }
0x1b: {  	s9 =	sadd.s32 $0xFFFFFEF7, lr;
	s5 =	simm.s32 $0xFFFFFFFF;
	p2 =	slt.u32 s8, $0xFFFFF086  }
0x1c: {  	p1 =	slt.u32 s9, $0xF7A;
	s5 =	simm.s32 @!p2 $0x0  }
0x1d: {  	s5 =	simm.s32 @p1 $0x1;
	p0 =	seq.s32 s7, s2  }
0x1e: {  	s7 =	smul.u32 @!p0 $0xF7A, s2;
	p2 =	seq.s32 @!p0 s5, $0x0  }
0x1f: {  	s9 =	smul.u32 $0xF7A, s1;
	s8 =	simm.s32 @!p0 $0x1BF5;
	p2 =	por !p2, p0  }
0x20: {  	[sflag:s8] =	ssyncset.s32 @!p0 $0xFFFFF086;
	s6 =	sadd.s32 @!p0 s3, s7;
	s7 =	simm.s32 @!p0 $0x108  }
0x21: {  	s3 =	sadd.s32 s3, s9;
	s6 =	sadd.s32 @!p0 $0x88, s6;
	s7 =	simm.s32 @p2 $0x1082  }
0x22: {  	[simem:s7], [sflag:s8] =	dma.local @!p0 [hbm:s6], $0xF7A  }
0x23: {  	s9 =	sor.u32 $0xD0000000, s2;
	s6 =	simm.s32 $0x108;
	_ =	swait.ge @!p0 [sflag:s8], $0x0  }
0x24: {  	s3 =	sadd.s32 $0x88, s3;
	s6 =	simm.s32 @!p1 $0x1082;
	[sflag:s4] =	ssyncset.s32 $0xFFFFF086  }
0x25: {  	[simem:s6], [sflag:s4] =	dma.local [hbm:s3], $0xF7A  }
0x26: {  	[smem:$0x3F9F] =	sst s1;
	(tag) =	ssettag s2;
	_ =	strace s9  }
0x27: {  	s1 =	sld [smem:$0x3FAF]  }
0x28: {  	s2 =	sld [smem:$0x3FB0]  }
0x29: {  	s4 =	sld [smem:$0x3FB2]  }
0x2a: {  	p0 =	seq.s32 s5, $0x0;
	s5 =	sld [smem:$0x3FB3]  }
0x2b: {  	s6 =	sld [smem:$0x3FB4]  }
0x2c: {  	s7 =	sld [smem:$0x3FB5]  }
0x2d: {  	s3 =	simm.s32 $0x108;
	s8 =	sld [smem:$0x3FB6]  }
0x2e: {  	s3 =	simm.s32 @!p0 $0x1082;
	s9 =	sld [smem:$0x3FB7]  }
0x2f: {  	lr =	sadd.s32 s0, s3;
	s0 =	sld [smem:$0x3FAE]  }
0x30: {  	s3 =	sld [smem:$0x3FB1]  }
0x31: {  	[smem:$0x3FBA] =	sst s10  }
0x32: {  	s10 =	sld [smem:$0x3FB8];
	_ =	sdelay $0x3  }
0x33: {  	p0 =	seq.s32 s10, $0x1;
	s10 =	sld [smem:$0x3FBA];
	_ =	sdelay $0x3  }
0x34: {  	[smem:$0x3FBA] =	sst s10  }
0x35: {  	s10 =	sld [smem:$0x3FB9];
	_ =	sdelay $0x3  }
0x36: {  	p1 =	seq.s32 s10, $0x1;
	s10 =	sld [smem:$0x3FBA];
	_ =	sdelay $0x3  }
0x37: {  	[smem:$0x3FBA] =	sst s10  }
0x38: {  	s10 =	sld [smem:$0x3FBB]  }
0x39: {  	_ = 	snop;
	(pc) =	sbr.ind lr, $3  }
0x3a: {  	_ = 	snop  }
0x3b: {  	_ = 	snop  }
0x3c: {  	p2 =	seq.s32 s10, $0x1;
	s10 =	sld [smem:$0x3FBA]  }
0x3d: {  	_ =	shalt  }
0x3e: {  	_ =	shalt  }
0x3f: {  	_ =	shalt  }
0x40: {  	_ =	shalt  }
0x41: {  	_ =	shalt  }
0x42: {  	_ =	shalt  }
0x43: {  	_ =	shalt  }
0x44: {  	_ =	shalt  }
0x45: {  	_ =	shalt  }
0x46: {  	_ =	shalt  }
0x47: {  	_ =	shalt  }
0x48: {  	_ =	shalt  }
0x49: {  	_ =	shalt  }
0x4a: {  	_ =	shalt  }
0x4b: {  	_ =	shalt  }
0x4c: {  	_ =	shalt  }
0x4d: {  	_ =	shalt  }
0x4e: {  	_ =	shalt  }
0x4f: {  	_ =	shalt  }
0x50: {  	_ =	shalt  }
0x51: {  	_ =	shalt  }
0x52: {  	_ =	shalt  }
0x53: {  	_ =	shalt  }
0x54: {  	_ =	shalt  }
0x55: {  	_ =	shalt  }
0x56: {  	_ =	shalt  }
0x57: {  	_ =	shalt  }
0x58: {  	_ =	shalt  }
0x59: {  	_ =	shalt  }
0x5a: {  	_ =	shalt  }
0x5b: {  	_ =	shalt  }
0x5c: {  	_ =	shalt  }
0x5d: {  	_ =	shalt  }
0x5e: {  	_ =	shalt  }
0x5f: {  	_ =	shalt  }
0x60: {  	_ =	shalt  }
0x61: {  	_ =	shalt  }
0x62: {  	_ =	shalt  }
0x63: {  	_ =	shalt  }
0x64: {  	_ =	shalt  }
0x65: {  	_ =	shalt  }
0x66: {  	_ =	shalt  }
0x67: {  	_ =	shalt  }
0x68: {  	_ =	shalt  }
0x69: {  	_ =	shalt  }
0x6a: {  	_ =	shalt  }
0x6b: {  	_ =	shalt  }
0x6c: {  	_ =	shalt  }
0x6d: {  	_ =	shalt  }
0x6e: {  	_ =	shalt  }
0x6f: {  	_ =	shalt  }
0x70: {  	_ =	shalt  }
0x71: {  	_ =	shalt  }
0x72: {  	_ =	shalt  }
0x73: {  	_ =	shalt  }
0x74: {  	_ =	shalt  }
0x75: {  	_ =	shalt  }
0x76: {  	_ =	shalt  }
0x77: {  	_ =	shalt  }
0x78: {  	_ =	shalt  }
0x79: {  	_ =	shalt  }
0x7a: {  	_ =	shalt  }
0x7b: {  	_ =	shalt  }
0x7c: {  	_ =	shalt  }
0x7d: {  	_ =	shalt  }
0x7e: {  	_ =	shalt  }
0x7f: {  	_ =	shalt  }
0x80: {  	_ =	shalt  }
0x81: {  	_ =	shalt  }
0x82: {  	_ =	shalt  }
0x83: {  	_ =	shalt  }
0x84: {  	_ =	shalt  }
0x85: {  	_ =	shalt  }
0x86: {  	_ =	shalt  }
0x87: {  	_ =	shalt  }
.Lfunc_end0:
.L_simem_size_0:
called_computation_lowered:
.L_overlay_start_0:
0x88: {  	s2 =	sld [smem:$0x3FD9]  }
0x89: {  	s3 =	sld [smem:$0x3FFE];
	_ =	sdelay $0x1  }
0x8a: {  	s1 =	srdreg.scid  }
0x8b: {  	s0 =	sand.u32 $0x1, s1  }
0x8c: {  	s17 =	sshll.u32 s0, $0xA;
	s2 =	sadd.s32 s3, s2  }
0x8d: {  	s2 =	sadd.s32 s2, s17  }
0x8e: {  	[smem:$0x3FC6] =	sst s2  }
0x8f: {  	_ = 	snop  }
0x90: {  	s2 =	sld [smem:$0x3FC9]  }
0x91: {  	s18 =	sld [smem:$0x3FD0];
	(tm) =	ssettm $0x1  }
0x92: {  	s4 =	sld [smem:$0x3FFB];
	_ =	sdelay $0x3  }
0x93: {  	_ =	strace s4  }
0x94: {  	s4 =	sld [smem:$0x3FFC];
	_ =	sdelay $0x3  }
0x95: {  	_ =	strace s4  }
0x96: {  	s4 =	sld [smem:$0x3FFD];
	_ =	sdelay $0x3  }
0x97: {  	_ =	strace s4  }
0x98: {  	_ =	strace $0x8FFFFFFF  }
0x99: {  	s19 =	sld [smem:$0x3FDB];
	_ =	sdelay $0x1  }
0x9a: {  	s5 =	simm.s32 $_scs_section_size  }
0x9b: {  	s6 =	simm.s32 $_size__tile_overlayer_lowered;
	s7 =	simm.s32 $_tile_overlayer_lowered  }
0x9c: {  	s22 =	simm.s32 $0x1BFF;
	s21 =	sshll.u32 s7, $0x1;
	s4 =	sadd.s32 s5, s19  }
0x9d: {  	s8 =	simm.s32 $0x0;
	s20 =	sshll.u32 s6, $0x1;
	s6 =	sadd.s32 s21, s4  }
0x9e: {  	[timem:s8], [sflag:s22] =	dma.local [hbm:s6], s20  }
0x9f: {  	_ =	swait.ge [sflag:s22], s20  }
0xa0: {  	s5 =	ssub.s32 $0x0, s20;
	[sflag:s22] =	ssyncset.done $0x0  }
0xa1: {  	[sflag:s22] =	ssyncadd.s32 s5;
	_ =	sdelay $0x1  }
0xa2: {  	s23 =	simm.s32 $0x1B8B  }
0xa3: {  	_ =	swait.ge [sflag:s23], $0x1  }
0xa4: {  	[sflag:s23] =	ssyncset.done $0x0  }
0xa5: {  	s25 =	simm.s32 $0x1B8E;
	s24 =	sld [smem:$0x3FFE];
	[sflag:s23] =	ssyncadd.s32 $0xFFFFFFFF  }
0xa6: {  	s26 =	simm.s32 $execute0_lowered;
	[smem:$0x3FD2] =	sst s25  }
0xa7: {  	s6 =	sshll.u32 s26, $0x1;
	_ =	strace $0x80000046;
	[dreg:$0x1] =	wrdreg $0xFFFFFFFF  }
0xa8: {  	s28 =	simm.s32 $_size_execute0_lowered;
	s4 =	sadd.s32 s4, s6;
	[dreg:$0x0] =	wrdreg $0x0  }
0xa9: {  	s6 =	sshll.u32 s28, $0x1;
	[dreg:$0x2] =	wrdreg s4  }
0xaa: {  	[dreg:$0x3] =	wrdreg s6  }
0xab: {  	[dreg:$0x4] =	wrdreg $0xC0  }
0xac: {  	_ =	task [dreg:s8], $0x5FFFF  }
0xad: {  	[dreg:$0x1] =	wrdreg $0xFFFFFFFF  }
0xae: {  	[dreg:$0x0] =	wrdreg $0x60  }
0xaf: {  	[dreg:$0x2] =	wrdreg s2  }
0xb0: {  	[dreg:$0x3] =	wrdreg s18  }
0xb1: {  	[dreg:$0x4] =	wrdreg s24  }
0xb2: {  	[dreg:$0x5] =	wrdreg $0x9  }
0xb3: {  	_ =	task.clear_ibuf [dreg:s8], $0x6FFFF;
	_ =	strace $0x90000046  }
0xb4: {  	s29 =	simm.s32 $0x9;
	_ =	strace $0x80000048  }
0xb5: {  	_ =	swait.ge [sflag:s29], $0x1  }
0xb6: {  	[sflag:s29] =	ssyncadd.s32 $0xFFFFFFFF  }
0xb7: {  	_ =	strace $0x90000048  }
0xb8: {  	_ =	sfence  }
0xb9: {  	s30 =	sld [smem:$0x0];
	_ =	sdelay $0x2  }
0xba: {  	s31 =	sshll.u32 s1, $0xD;
	s1 =	sshrl.u32 s1, $0x2  }
0xbb: {  	s3 =	sand.u32 $0x4000, s31;
	s1 =	sadd.s32 s1, s30  }
0xbc: {  	s0 =	sor.u32 s3, s0;
	s1 =	sshll.u32 s1, $0x11  }
0xbd: {  	s0 =	sor.u32 s1, s0  }
0xbe: {  	s0 =	sadd.s32 $0x8F2B, s0  }
0xbf: {  	[sflag:s0] =	ssyncadd.remote.s32 $0x1  }
0xc0: {  	_ =	sfence.sel $0xFFFF  }
0xc1: {  	[dreg:$0x0] =	wrdreg $0xFFFFFFFF;
	(pc) =	sbr.abs _section_cstart, $3  }
0xc2: {  	[dreg:$0x1] =	wrdreg $0xFFFFFFFF  }
0xc3: {  	_ =	task.clear_ibuf [dreg:s8], $0x2FFFF;
	_ =	strace $0x9FFFFFFF  }
0xc4: {  	(tm) =	ssettm $0x7FFFFFFF  }
0xc5: {  	_ =	shalt  }
tec
execute0_lowered:
.L_overlay_start_1:
0x0: {  	(tag) =	ssettag $0x1  }
0x1: {  	s1 =	rddreg [dreg:$0x0];
	s2 =	srdreg.scid  }
0x2: {  	s0 =	stileid.u32;
	s4 =	rddreg [dreg:$0x1]  }
0x3: {  	s5 =	rddreg [dreg:$0x2];
	s3 =	simm.s32 $0x0;
	s15 =	simm.s32 $0x8C00  }
0x4: {  	s16 =	simm.s32 $0x100;
	s17 =	simm.s32 $0xCC00;
	s18 =	simm.s32 $0x1  }
0x5: {  	s19 =	simm.s32 $0x4;
	s20 =	simm.s32 $0x2;
	s21 =	simm.s32 $0x5  }
0x6: {  	s22 =	simm.s32 $0x3;
	s23 =	simm.s32 $0x6;
	s9 =	smul.u32 $0x126, s0  }
0x7: {  	s24 =	simm.s32 $0x0;
	s8 =	sand.u32 $0x1, s2;
	s29 =	smul.u32 $0x93000, s0  }
0x8: {  	s25 =	sshll.u32 s0, $0x1;
	s2 =	rddreg [dreg:$0x3];
	s12 =	smul.u32 $0x93, s8  }
0x9: {  	[smem:$0x7FF] =	sst s3;
	s6 =	sor.u32 s8, s25;
	s14 =	smul.u32 $0x49800, s8  }
0xa: {  	s10 =	sadd.s32 $0x400, s5;
	s26 =	ssub.s32 $0x2, s8;
	s7 =	smul.u32 $0x980, s6  }
0xb: {  	_ =	strace $0x80000047;
	s6 =	smul.u32 $0x24C000, s6;
	s11 =	sshrl.u32 s26, $0x1  }
0xc: {  	s31 =	sadd.s32 s29, s10;
	s11 =	ssub.s32 s26, s11;
	s28 =	sadd.s32 s12, s9  }
0xd: {  	s12 =	simm.s32 $0x7;
	s6 =	sshrl.u32 s6, $0x3;
	s4 =	sadd.s32 s4, s7  }
0xe: {  	s9 =	sshll.u32 s28, $0xB;
	s8 =	smax.u32 s11, $0x1;
	s11 =	sadd.s32 s14, s31  }
0xf: {  	s14 =	simm.s32 $0x4C00;
	s13 =	sadd.s32 s10, s6;
	s30 =	sadd.s32 s10, s9  }
0x10: {  	s5 =	sadd.s32 $0x48000, s13;
	s6 =	sadd.s32 $0x48800, s13;
	s7 =	sadd.s32 $0x49000, s13  }
0x11: {  	s9 =	sadd.s32 $0x1000, s30;
	s10 =	sadd.s32 $0x800, s30;
	s13 =	simm.s32 $0x80  }
.LBB2_1:
0x12: {  	[tilespmem:s3], [sflag:$0x7] =	stream.linear.gather [hbm4b:s4+s3], $0x4980, $0x38;
	[tilespmem:$0x10C00] =	vst v63  }
0x13: {  	_ =	swait.ge [sflag:s12], $0x4980  }
0x14: {  	[sflag:s12] =	ssyncset.done $0x0  }
0x15: {  	[sflag:s12] =	ssyncadd.s32 $0xFFFFB680  }
0x16: {  	[tilespmem:s14], [sflag:$0x1] =	stream.indirect.gather [hbm4b:s1+s13], $0x80, s3, s13, $0xb8;
	[tilespmem:$0x10C00] =	vst v63  }
0x17: {  	_ = 	snop  }
0x18: {  	[tilespmem:s15], [sflag:$0x2] =	stream.indirect.gather [hbm4b:s1+s13], $0x80, s13, s13, $0xb8;
	[tilespmem:$0x10C00] =	vst v63  }
0x19: {  	_ = 	snop  }
0x1a: {  	[tilespmem:s17], [sflag:$0x3] =	stream.indirect.gather [hbm4b:s1+s13], $0x80, s16, s13, $0xb8;
	[tilespmem:$0x10C00] =	vst v63  }
0x1b: {  	_ =	swait.ge [sflag:s18], $0x4000  }
0x1c: {  	[sflag:s18] =	ssyncset.done $0x0  }
0x1d: {  	[sflag:s18] =	ssyncadd.s32 $0xFFFFC000  }
0x1e: {  	[hbm4b:s11+s3] =	stream.linear.scatter [tilespmem:s14], [sflag:$0x4], $0x4000, $0x38;
	[tilespmem:$0x10C00] =	vst v63  }
0x1f: {  	_ =	swait.ge [sflag:s19], $0x4000  }
0x20: {  	[sflag:s19] =	ssyncset.done $0x0  }
0x21: {  	s25 =	simm.s32 $0x180;
	[sflag:s19] =	ssyncadd.s32 $0xFFFFC000  }
0x22: {  	[tilespmem:s14], [sflag:$0x1] =	stream.indirect.gather [hbm4b:s1+s13], $0x80, s25, s13, $0xb8;
	[tilespmem:$0x10C00] =	vst v63  }
0x23: {  	_ =	swait.ge [sflag:s20], $0x4000  }
0x24: {  	[sflag:s20] =	ssyncset.done $0x0  }
0x25: {  	[sflag:s20] =	ssyncadd.s32 $0xFFFFC000  }
0x26: {  	[hbm4b:s10+s3] =	stream.linear.scatter [tilespmem:s15], [sflag:$0x5], $0x4000, $0x38;
	[tilespmem:$0x10C00] =	vst v63  }
0x27: {  	_ =	swait.ge [sflag:s21], $0x4000  }
0x28: {  	[sflag:s21] =	ssyncset.done $0x0  }
0x29: {  	s31 =	simm.s32 $0x200;
	[sflag:s21] =	ssyncadd.s32 $0xFFFFC000  }
0x2a: {  	[tilespmem:s15], [sflag:$0x2] =	stream.indirect.gather [hbm4b:s1+s13], $0x80, s31, s13, $0xb8;
	[tilespmem:$0x10C00] =	vst v63  }
0x2b: {  	_ =	swait.ge [sflag:s22], $0x4000  }
0x2c: {  	[sflag:s22] =	ssyncset.done $0x0  }
0x2d: {  	[sflag:s22] =	ssyncadd.s32 $0xFFFFC000  }
0x2e: {  	[hbm4b:s9+s3] =	stream.linear.scatter [tilespmem:s17], [sflag:$0x6], $0x4000, $0x38;
	[tilespmem:$0x10C00] =	vst v63  }
0x2f: {  	s26 =	sadd.s32 $0x1800, s10;
	_ =	swait.ge [sflag:s23], $0x4000  }
0x30: {  	s28 =	sadd.s32 $0x1800, s11;
	s30 =	simm.s32 $0x280;
	[sflag:s23] =	ssyncset.done $0x0  }
0x31: {  	s29 =	sadd.s32 $0x1800, s9;
	s25 =	simm.s32 $0x600;
	[sflag:s23] =	ssyncadd.s32 $0xFFFFC000  }
.LBB2_2:
0x32: {  	[tilespmem:s17], [sflag:$0x3] =	stream.indirect.gather [hbm4b:s1+s13], $0x80, s30, s13, $0xb8;
	[tilespmem:$0x10C00] =	vst v63  }
0x33: {  	s30 =	smov.u32 s25  }
0x34: {  	p0 =	sne.s32 s25, $0x11A00;
	s25 =	sadd.s32 $0x600, s25;
	_ =	swait.ge [sflag:s18], $0x4000  }
0x35: {  	[sflag:s18] =	ssyncset.done $0x0  }
0x36: {  	[sflag:s18] =	ssyncadd.s32 $0xFFFFC000  }
0x37: {  	[hbm4b:s28+s3] =	stream.linear.scatter [tilespmem:s14], [sflag:$0x4], $0x4000, $0x38;
	[tilespmem:$0x10C00] =	vst v63  }
0x38: {  	_ =	swait.ge [sflag:s19], $0x4000  }
0x39: {  	s30 =	sshra.s32 s30, $0x2;
	[sflag:s19] =	ssyncset.done $0x0  }
0x3a: {  	s31 =	sadd.s32 $0x180, s30;
	[sflag:s19] =	ssyncadd.s32 $0xFFFFC000  }
0x3b: {  	[tilespmem:s14], [sflag:$0x1] =	stream.indirect.gather [hbm4b:s1+s13], $0x80, s31, s13, $0xb8;
	[tilespmem:$0x10C00] =	vst v63  }
0x3c: {  	_ =	swait.ge [sflag:s20], $0x4000  }
0x3d: {  	[sflag:s20] =	ssyncset.done $0x0  }
0x3e: {  	[sflag:s20] =	ssyncadd.s32 $0xFFFFC000  }
0x3f: {  	[hbm4b:s26+s3] =	stream.linear.scatter [tilespmem:s15], [sflag:$0x5], $0x4000, $0x38;
	[tilespmem:$0x10C00] =	vst v63  }
0x40: {  	_ =	swait.ge [sflag:s21], $0x4000  }
0x41: {  	[sflag:s21] =	ssyncset.done $0x0  }
0x42: {  	s31 =	sadd.s32 $0x200, s30;
	[sflag:s21] =	ssyncadd.s32 $0xFFFFC000  }
0x43: {  	[tilespmem:s15], [sflag:$0x2] =	stream.indirect.gather [hbm4b:s1+s13], $0x80, s31, s13, $0xb8;
	[tilespmem:$0x10C00] =	vst v63  }
0x44: {  	_ =	swait.ge [sflag:s22], $0x4000  }
0x45: {  	[sflag:s22] =	ssyncset.done $0x0  }
.Ltmp0:
0x46: {  	[sflag:s22] =	ssyncadd.s32 $0xFFFFC000;
	(pc) =	sbr.rel @p0 .LBB2_2-.Ltmp0, $4  }
0x47: {  	[hbm4b:s29+s3] =	stream.linear.scatter [tilespmem:s17], [sflag:$0x6], $0x4000, $0x38;
	[tilespmem:$0x10C00] =	vst v63  }
0x48: {  	_ =	swait.ge [sflag:s23], $0x4000  }
0x49: {  	s28 =	sadd.s32 $0x1800, s28;
	s26 =	sadd.s32 $0x1800, s26;
	[sflag:s23] =	ssyncset.done $0x0  }
0x4a: {  	s30 =	sadd.s32 $0x280, s30;
	s29 =	sadd.s32 $0x1800, s29;
	[sflag:s23] =	ssyncadd.s32 $0xFFFFC000  }
0x4b: {  	[tilespmem:s17], [sflag:$0x3] =	stream.indirect.gather [hbm4b:s1+s13], $0x80, s30, s13, $0xb8;
	[tilespmem:$0x10C00] =	vst v63  }
0x4c: {  	_ =	swait.ge [sflag:s18], $0x4000  }
0x4d: {  	[sflag:s18] =	ssyncset.done $0x0  }
0x4e: {  	[sflag:s18] =	ssyncadd.s32 $0xFFFFC000  }
0x4f: {  	[hbm4b:s5+s3] =	stream.linear.scatter [tilespmem:s14], [sflag:$0x4], $0x4000, $0x38;
	[tilespmem:$0x10C00] =	vst v63  }
0x50: {  	_ =	swait.ge [sflag:s20], $0x4000  }
0x51: {  	[sflag:s20] =	ssyncset.done $0x0  }
0x52: {  	[sflag:s20] =	ssyncadd.s32 $0xFFFFC000  }
0x53: {  	[hbm4b:s6+s3] =	stream.linear.scatter [tilespmem:s15], [sflag:$0x5], $0x4000, $0x38;
	[tilespmem:$0x10C00] =	vst v63  }
0x54: {  	_ =	swait.ge [sflag:s22], $0x4000  }
0x55: {  	[sflag:s22] =	ssyncset.done $0x0  }
0x56: {  	[sflag:s22] =	ssyncadd.s32 $0xFFFFC000  }
0x57: {  	[hbm4b:s7+s3] =	stream.linear.scatter [tilespmem:s17], [sflag:$0x6], $0x4000, $0x38;
	[tilespmem:$0x10C00] =	vst v63  }
0x58: {  	_ =	swait.ge [sflag:s19], $0x4000  }
0x59: {  	[sflag:s19] =	ssyncset.done $0x0  }
0x5a: {  	s24 =	sadd.s32 $0x1, s24;
	[sflag:s19] =	ssyncadd.s32 $0xFFFFC000  }
0x5b: {  	p0 =	sne.s32 s24, s8;
	_ =	swait.ge [sflag:s21], $0x4000  }
.Ltmp1:
0x5c: {  	[sflag:s21] =	ssyncset.done $0x0;
	(pc) =	sbr.rel @p0 .LBB2_1-.Ltmp1, $4  }
0x5d: {  	[sflag:s21] =	ssyncadd.s32 $0xFFFFC000  }
0x5e: {  	_ =	swait.ge [sflag:s23], $0x4000  }
0x5f: {  	[sflag:s23] =	ssyncset.done $0x0  }
0x60: {  	[sflag:s23] =	ssyncadd.s32 $0xFFFFC000  }
0x61: {  	_ =	sfence.sel $0x180000  }
0x62: {  	[bflag:$0x0] =	sbarrier.arrive $0xFFFF  }
0x63: {  	p0 =	sne.s32 s0, $0x0;
	_ =	strace $0x90000047  }
0x64: {  	s0 =	sadd.s32 @!p0 $0x100000, s2;
	[bflag:$0x2] =	sbarrier.arrive $0xFFFF  }
0x65: {  	[sflag:s0] =	ssyncadd.tile.s32 @!p0 $0x1;
	_ =	shalt  }
.Lfunc_end2:
_tile_overlayer_lowered:
.L_overlay_start_2:
0x66: {  	(tag) =	ssettag $0x2  }
0x67: {  	s0 =	rddreg [dreg:$0x0];
	s2 =	stileid.u32  }
0x68: {  	s1 =	rddreg [dreg:$0x1];
	p0 =	sne.s32 s2, $0x0  }
0x69: {  	s3 =	rddreg [dreg:$0x2];
	[bflag:$0x3] =	sbarrier.arrive $0xFFFF;
	s2 =	simm.s32 @!p0 $0x1C07  }
0x6a: {  	[timem:s3], [sflag:s2] =	dma.local @!p0 [hbm:s0], s1  }
0x6b: {  	s0 =	simm.s32 @!p0 $0x7  }
0x6c: {  	_ =	swait.ge @!p0 [sflag:s0], s1  }
0x6d: {  	s1 =	ssub.s32 @!p0 $0x0, s1;
	[sflag:s0] =	ssyncset.done @!p0 $0x0  }
0x6e: {  	[sflag:s0] =	ssyncadd.s32 @!p0 s1  }
0x6f: {  	[bflag:$0x3] =	sbarrier.arrive $0xFFFF  }
0x70: {  	_ =	shalt  }

</sc_bundles>
